<compile_context>
chip_gen: v7x
topology: tpu7x:2x2x1
jax: 0.10.2.dev20260603
libtpu: 0.0.44.dev20260713+nightly
codegen_flags: <defaults>
</compile_context>

<pallas_src>
import functools

import jax
import jax.numpy as jnp
from jax import lax
from jax.experimental import pallas as pl
from jax.experimental.pallas import tpu as pltpu
from jax.experimental.pallas import tpu_sc as plsc

_VOCAB = 1000000
_D = 16

_NC, _NS = 2, 16
_NW = _NC * _NS
_CHUNK = 5120


def _transform_body(t_ref, w_ref, b_ref, o_ref):
    x = t_ref[...]
    pid = pl.program_id(0)
    r = lax.broadcasted_iota(jnp.int32, x.shape, 0)
    c = lax.broadcasted_iota(jnp.int32, x.shape, 1)
    x = jnp.where((pid == 0) & (r == 0) & (c < _D), 0.0, x)
    o_ref[...] = (
        jnp.dot(x, w_ref[...], preferred_element_type=jnp.float32) + b_ref[...]
    )


def _transform_table(tblv, w128, b128):
    return pl.pallas_call(
        _transform_body,
        grid=(25,),
        in_specs=[
            pl.BlockSpec((5000, 128), lambda i: (i, 0)),
            pl.BlockSpec((128, 128), lambda i: (0, 0)),
            pl.BlockSpec((1, 128), lambda i: (0, 0)),
        ],
        out_specs=pl.BlockSpec((5000, 128), lambda i: (i, 0)),
        out_shape=jax.ShapeDtypeStruct((_VOCAB // 8, 128), jnp.float32),
    )(tblv, w128, b128)


def _sc_gather(table, idx):
    n = idx.shape[0]
    bpw = n // _NW
    nchunk = bpw // _CHUNK
    mesh = plsc.VectorSubcoreMesh(core_axis_name="c", subcore_axis_name="s")

    @functools.partial(
        pl.kernel,
        mesh=mesh,
        compiler_params=pltpu.CompilerParams(use_tc_tiling_on_sc=False),
        out_type=jax.ShapeDtypeStruct((n, _D), jnp.float32),
        scratch_types=[
            pltpu.VMEM((_CHUNK,), jnp.int32),
            pltpu.VMEM((_CHUNK, _D), jnp.float32),
            pltpu.SemaphoreType.DMA,
        ],
    )
    def k(table_hbm, idx_hbm, out_hbm, idx_v, rows_v, sem):
        wid = lax.axis_index("s") * _NC + lax.axis_index("c")
        base = wid * bpw

        @pl.loop(0, nchunk)
        def _(j):
            off = base + j * _CHUNK
            pltpu.sync_copy(idx_hbm.at[pl.ds(off, _CHUNK)], idx_v)
            pltpu.async_copy(table_hbm.at[idx_v], rows_v, sem).wait()
            pltpu.sync_copy(rows_v, out_hbm.at[pl.ds(off, _CHUNK)])

    return k(table, idx)


def kernel(x, emb_table, W, b):
    batch, hist = x.shape
    w128 = jnp.kron(jnp.eye(8, dtype=W.dtype), W.T)
    b128 = jnp.tile(b, 8).reshape(1, 128)
    tblv = emb_table.reshape(_VOCAB * _D).reshape(_VOCAB // 8, 128)
    tbl_t = _transform_table(tblv, w128, b128)
    tbl_lin = tbl_t.reshape(_VOCAB * _D).reshape(_VOCAB, _D)
    idx = x.T.reshape(-1).astype(jnp.int32)
    out = _sc_gather(tbl_lin, idx)
    return jnp.transpose(out.reshape(hist, batch, _D), (1, 0, 2))

# --- scband reference (transcript-rebuilt; emitter-appended) ---
"""Pipeline reference for scband-emb-dnn-90726889161451 (READ-ONLY COPY).

The authoritative reference and input builder live on the scoring server;
editing this copy changes nothing except your own understanding.
"""

import jax, jax.numpy as jnp
import numpy as np

VOCAB = 1000000
EMBED_DIM = 16
OUTPUT_SIZE = 16
PADDING_IDX = 0
BATCH = 16384
HIST = 50

def setup_inputs(seed: int = 0) -> dict:
    key = jax.random.key(seed)
    k1, k2, k3, k4 = jax.random.split(key, 4)
    x = jax.random.randint(k1, (BATCH, HIST), 0, VOCAB, dtype=jnp.int64) if jax.config.jax_enable_x64 else jax.random.randint(k1, (BATCH, HIST), 0, VOCAB, dtype=jnp.int32)
    emb_table = jax.random.normal(k2, (VOCAB, EMBED_DIM), dtype=jnp.float32)
    # padding_idx row initialized to zero, matching nn.Embedding(padding_idx=...)
    emb_table = emb_table.at[PADDING_IDX].set(0.0)
    bound = 1.0 / np.sqrt(EMBED_DIM)
    W = jax.random.uniform(k3, (OUTPUT_SIZE, EMBED_DIM), dtype=jnp.float32, minval=-bound, maxval=bound)
    b = jax.random.uniform(k4, (OUTPUT_SIZE,), dtype=jnp.float32, minval=-bound, maxval=bound)
    return {"x": x, "emb_table": emb_table, "W": W, "b": b}

def reference(x, emb_table, W, b):
    # mask enforces padding_idx row stays zero (as in nn.Embedding with padding_idx)
    pad_mask = jnp.ones((emb_table.shape[0], 1), dtype=emb_table.dtype).at[PADDING_IDX].set(0.0)
    table = emb_table * pad_mask
    embedded = jnp.take(table, x, axis=0)  # [B, L, D]
    out = embedded @ W.T + b               # [B, L, OUTPUT_SIZE]
    return out

if __name__ == "__main__":
    import jax
    _d = setup_inputs()
    print(jax.jit(kernel)(*tuple(_d.values())))

</pallas_src>

<mosaic_0001>
#map = affine_map<(d0, d1) -> (0, 0)>
#map1 = affine_map<(d0, d1) -> (0)>
module attributes {stable_mosaic.version = 14 : i64} {
  func.func @k(%arg0: i32, %arg1: i32, %arg2: memref<1000000x16xf32, #tpu.memory_space<hbm>>, %arg3: memref<819200xi32, #tpu.memory_space<hbm>>, %arg4: memref<819200x16xf32, #tpu.memory_space<hbm>>, %arg5: memref<5120xi32, #tpu.memory_space<vmem>>, %arg6: memref<5120x16xf32, #tpu.memory_space<vmem>>, %arg7: memref<!tpu.dma_semaphore, #tpu.memory_space<semaphore_mem>>) attributes {dimension_semantics = [#tpu.dimension_semantics<core_parallel>, #tpu.dimension_semantics<subcore_parallel>], iteration_bounds = array<i64: 2, 16>, scalar_prefetch = 0 : i64, scratch_operands = 3 : i64, tpu.core_type = #tpu.core_type<sc_vector_subcore>, window_params = [{transform_indices = #map}, {transform_indices = #map1}, {transform_indices = #map}]} {
    %mul3A = arith.constant 2 : i32
    %mul3A_0 = arith.muli %arg1, %mul3A : i32
    %add3A = arith.addi %mul3A_0, %arg0 : i32
    %mul3A_1 = arith.constant 25600 : i32
    %mul3A_2 = arith.muli %add3A, %mul3A_1 : i32
    %scan3A = arith.constant 0 : i32
    %scan3A_3 = arith.constant 5 : i32
    %scan3A_4 = arith.addi %scan3A, %scan3A_3 : i32
    %scan3A_5 = arith.constant 1 : i32
    scf.for %scan3A_7 = %scan3A to %scan3A_4 step %scan3A_5  : i32 {
      %mul3A_8 = arith.constant 1 : i32
      %mul3A_9 = arith.muli %scan3A_7, %mul3A_8 : i32
      %add3A_10 = arith.constant 0 : i32
      %add3A_11 = arith.addi %add3A_10, %mul3A_9 : i32
      %mul3A_12 = arith.constant 5120 : i32
      %mul3A_13 = arith.muli %add3A_11, %mul3A_12 : i32
      %add3A_14 = arith.addi %mul3A_2, %mul3A_13 : i32
      "tpu.region"() ({
        %run_scoped3A = tpu.sem_alloc : memref<!tpu.dma_semaphore, #tpu.memory_space<semaphore_mem>>
        %dma_start3A_19 = tpu.memref_slice %arg3[%add3A_14] : memref<819200xi32, #tpu.memory_space<hbm>> -> memref<5120xi32, #tpu.memory_space<hbm>>
        %dma_start3A_20 = tpu.memref_slice %arg3[%add3A_14] : memref<819200xi32, #tpu.memory_space<hbm>> -> memref<5120xi32, #tpu.memory_space<hbm>>
        tpu.enqueue_dma source(%dma_start3A_20 : memref<5120xi32, #tpu.memory_space<hbm>>) target(%arg5 : memref<5120xi32, #tpu.memory_space<vmem>>) target_semaphore(%run_scoped3A : memref<!tpu.dma_semaphore, #tpu.memory_space<semaphore_mem>>)
        %dma_wait3A_21 = tpu.memref_slice %arg3[%add3A_14] : memref<819200xi32, #tpu.memory_space<hbm>> -> memref<5120xi32, #tpu.memory_space<hbm>>
        %dma_wait3A_22 = tpu.memref_slice %arg3[%add3A_14] : memref<819200xi32, #tpu.memory_space<hbm>> -> memref<5120xi32, #tpu.memory_space<hbm>>
        tpu.wait_dma2 semaphore(%run_scoped3A : memref<!tpu.dma_semaphore, #tpu.memory_space<semaphore_mem>>) src(%dma_wait3A_22 : memref<5120xi32, #tpu.memory_space<hbm>>) dst(%arg5 : memref<5120xi32, #tpu.memory_space<vmem>>)
        tpu.yield
      }) : () -> ()
      %dma_start3A = arith.constant 0 : i32
      %dma_start3A_15 = arith.constant 0 : i32
      %dma_start3A_16 = tpu.memref_slice %arg2[%dma_start3A, %dma_start3A_15] : memref<1000000x16xf32, #tpu.memory_space<hbm>> -> memref<1000000x16xf32, #tpu.memory_space<hbm>>
      tpu.enqueue_indirect_dma source(%dma_start3A_16 : memref<1000000x16xf32, #tpu.memory_space<hbm>>) target(%arg6 : memref<5120x16xf32, #tpu.memory_space<vmem>>) offsets(%arg5 : memref<5120xi32, #tpu.memory_space<vmem>>) semaphore(%arg7 : memref<!tpu.dma_semaphore, #tpu.memory_space<semaphore_mem>>)
      %dma_wait3A = arith.constant 0 : i32
      %dma_wait3A_17 = arith.constant 0 : i32
      %dma_wait3A_18 = tpu.memref_slice %arg2[%dma_wait3A, %dma_wait3A_17] : memref<1000000x16xf32, #tpu.memory_space<hbm>> -> memref<1000000x16xf32, #tpu.memory_space<hbm>>
      tpu.wait_indirect_dma semaphore(%arg7 : memref<!tpu.dma_semaphore, #tpu.memory_space<semaphore_mem>>) src(%dma_wait3A_18 : memref<1000000x16xf32, #tpu.memory_space<hbm>>) dst(%arg6 : memref<5120x16xf32, #tpu.memory_space<vmem>>)
      "tpu.region"() ({
        %run_scoped3A = tpu.sem_alloc : memref<!tpu.dma_semaphore, #tpu.memory_space<semaphore_mem>>
        %dma_start3A_19 = arith.constant 0 : i32
        %dma_start3A_20 = tpu.memref_slice %arg4[%add3A_14, %dma_start3A_19] : memref<819200x16xf32, #tpu.memory_space<hbm>> -> memref<5120x16xf32, #tpu.memory_space<hbm>>
        %dma_start3A_21 = arith.constant 0 : i32
        %dma_start3A_22 = tpu.memref_slice %arg4[%add3A_14, %dma_start3A_21] : memref<819200x16xf32, #tpu.memory_space<hbm>> -> memref<5120x16xf32, #tpu.memory_space<hbm>>
        tpu.enqueue_dma source(%arg6 : memref<5120x16xf32, #tpu.memory_space<vmem>>) target(%dma_start3A_22 : memref<5120x16xf32, #tpu.memory_space<hbm>>) target_semaphore(%run_scoped3A : memref<!tpu.dma_semaphore, #tpu.memory_space<semaphore_mem>>)
        %dma_wait3A_23 = arith.constant 0 : i32
        %dma_wait3A_24 = tpu.memref_slice %arg4[%add3A_14, %dma_wait3A_23] : memref<819200x16xf32, #tpu.memory_space<hbm>> -> memref<5120x16xf32, #tpu.memory_space<hbm>>
        %dma_wait3A_25 = arith.constant 0 : i32
        %dma_wait3A_26 = tpu.memref_slice %arg4[%add3A_14, %dma_wait3A_25] : memref<819200x16xf32, #tpu.memory_space<hbm>> -> memref<5120x16xf32, #tpu.memory_space<hbm>>
        tpu.wait_dma2 semaphore(%run_scoped3A : memref<!tpu.dma_semaphore, #tpu.memory_space<semaphore_mem>>) src(%arg6 : memref<5120x16xf32, #tpu.memory_space<vmem>>) dst(%dma_wait3A_26 : memref<5120x16xf32, #tpu.memory_space<hbm>>)
        tpu.yield
      }) : () -> ()
    }
    %scan3A_6 = arith.constant 5 : i32
    return
  }
}

module attributes {stable_mosaic.version = 14 : i64} {
  func.func @_transform_body(%arg0: i32, %arg1: memref<5000x128xf32, #tpu.memory_space<vmem>>, %arg2: memref<128x128xf32, #tpu.memory_space<vmem>>, %arg3: memref<1x128xf32, #tpu.memory_space<vmem>>, %arg4: memref<5000x128xf32, #tpu.memory_space<vmem>>) attributes {dimension_semantics = [#tpu.dimension_semantics<arbitrary>], iteration_bounds = array<i64: 25>, scalar_prefetch = 0 : i64, scratch_operands = 0 : i64, tpu.core_type = #tpu.core_type<tc>, window_params = [{transform_indices = @transform_0, window_bounds = array<i64: 5000, 128>}, {pipeline_mode = #tpu.pipeline_mode<synchronous>, transform_indices = @transform_1, window_bounds = array<i64: 128, 128>}, {pipeline_mode = #tpu.pipeline_mode<synchronous>, transform_indices = @transform_2, window_bounds = array<i64: 1, 128>}, {transform_indices = @transform_3, window_bounds = array<i64: 5000, 128>}]} {
    %get3A = arith.constant 0 : index
    %get3A_0 = arith.constant 0 : index
    %get3A_1 = vector.load %arg1[%get3A, %get3A_0] : memref<5000x128xf32, #tpu.memory_space<vmem>>, vector<5000x128xf32>
    %iota3A = tpu.iota {dimensions = array<i32: 0>} : vector<5000x128xi32>
    %iota3A_2 = tpu.iota {dimensions = array<i32: 1>} : vector<5000x128xi32>
    %eq3A = arith.constant 0 : i32
    %eq3A_3 = arith.cmpi eq, %arg0, %eq3A : i32
    %eq3A_4 = arith.constant 0 : i32
    %eq3A_5 = vector.broadcast %eq3A_4 : i32 to vector<5000x128xi32>
    %eq3A_6 = arith.cmpi eq, %iota3A, %eq3A_5 : vector<5000x128xi32>
    %and3A = vector.broadcast %eq3A_3 : i1 to vector<5000x128xi1>
    %and3A_7 = arith.andi %and3A, %eq3A_6 : vector<5000x128xi1>
    %lt3A = arith.constant 16 : i32
    %lt3A_8 = vector.broadcast %lt3A : i32 to vector<5000x128xi32>
    %lt3A_9 = arith.cmpi slt, %iota3A_2, %lt3A_8 : vector<5000x128xi32>
    %and3A_10 = arith.andi %and3A_7, %lt3A_9 : vector<5000x128xi1>
    %jit3A = arith.constant 0.000000e+00 : f32
    %broadcast_in_dim3A = vector.broadcast %jit3A : f32 to vector<5000x128xf32>
    %select_n3A = arith.select %and3A_10, %broadcast_in_dim3A, %get3A_1 : vector<5000x128xi1>, vector<5000x128xf32>
    %get3A_11 = arith.constant 0 : index
    %get3A_12 = arith.constant 0 : index
    %get3A_13 = vector.load %arg2[%get3A_11, %get3A_12] : memref<128x128xf32, #tpu.memory_space<vmem>>, vector<128x128xf32>
    %dot_general3A = arith.constant dense<0.000000e+00> : vector<5000x128xf32>
    %dot_general3A_14 = tpu.matmul %select_n3A, %get3A_13, %dot_general3A {dimension_numbers = #tpu.dot_dimension_numbers<[1], [0], [0], [1], [0, 0, 1, 1], [], []>, transpose_lhs_hint = false} : vector<5000x128xf32>, vector<128x128xf32>, vector<5000x128xf32> -> vector<5000x128xf32>
    %get3A_15 = arith.constant 0 : index
    %get3A_16 = arith.constant 0 : index
    %get3A_17 = vector.load %arg3[%get3A_15, %get3A_16] : memref<1x128xf32, #tpu.memory_space<vmem>>, vector<1x128xf32>
    %add3A = vector.broadcast %get3A_17 : vector<1x128xf32> to vector<5000x128xf32>
    %add3A_18 = arith.addf %dot_general3A_14, %add3A : vector<5000x128xf32>
    %swap3A = arith.constant 0 : index
    %swap3A_19 = arith.constant 0 : index
    %swap3A_20 = vector.load %arg4[%swap3A, %swap3A_19] : memref<5000x128xf32, #tpu.memory_space<vmem>>, vector<5000x128xf32>
    tpu.vector_store %arg4[%swap3A, %swap3A_19], %add3A_18 {strides = array<i32>} : memref<5000x128xf32, #tpu.memory_space<vmem>>, vector<5000x128xf32>,
    return
  }
  func.func @transform_0(%arg0: i32) -> (i32, i32) {
    %c0_i32 = arith.constant 0 : i32
    %c0_i32_0 = arith.constant 0 : i32
    return %arg0, %c0_i32 : i32, i32
  }
  func.func @transform_1(%arg0: i32) -> (i32, i32) {
    %c0_i32 = arith.constant 0 : i32
    %c0_i32_0 = arith.constant 0 : i32
    %c0_i32_1 = arith.constant 0 : i32
    return %c0_i32, %c0_i32_0 : i32, i32
  }
  func.func @transform_2(%arg0: i32) -> (i32, i32) {
    %c0_i32 = arith.constant 0 : i32
    %c0_i32_0 = arith.constant 0 : i32
    %c0_i32_1 = arith.constant 0 : i32
    return %c0_i32, %c0_i32_0 : i32, i32
  }
  func.func @transform_3(%arg0: i32) -> (i32, i32) {
    %c0_i32 = arith.constant 0 : i32
    %c0_i32_0 = arith.constant 0 : i32
    return %arg0, %c0_i32 : i32, i32
  }
}

</mosaic_0001>

<sc_bundles>
// kernel: kernel.4.cloned.1.call-start
scs
__scs_entry_jumppad:
0x0: {  	(pc) =	sbr.rel $0x88, $3  }
0x1: {  	(tag) =	ssettag $0x0;
	lr =	simm.s32 $0x1  }
0x2: {  	[smem:$0x3F9D] =	sst lr;
	_ =	strace $0xD0000000  }
0x3: {  	_ = 	snop  }
0x4: {  	_ = 	snop  }
0x5: {  	_ = 	snop  }
0x6: {  	_ = 	snop  }
0x7: {  	_ = 	snop  }
__scs_overlays_trampoline_lowered:
0x8: {  	[smem:$0x3FAC] =	sst s0  }
0x9: {  	[smem:$0x3FAD] =	sst s1  }
0xa: {  	[smem:$0x3FAE] =	sst s2  }
0xb: {  	[smem:$0x3FAF] =	sst s3  }
0xc: {  	[smem:$0x3FB0] =	sst s4  }
0xd: {  	[smem:$0x3FB1] =	sst s5  }
0xe: {  	[smem:$0x3FB2] =	sst s6  }
0xf: {  	[smem:$0x3FB3] =	sst s7  }
0x10: {  	[smem:$0x3FB4] =	sst s8  }
0x11: {  	[smem:$0x3FB5] =	sst s9;
	s0 =	simm.s32 @!p0 $0x0  }
0x12: {  	s1 =	sld [smem:$0x3F9B];
	s0 =	simm.s32 @p0 $0x1  }
0x13: {  	[smem:$0x3FB6] =	sst s0;
	s0 =	simm.s32 @!p1 $0x0  }
0x14: {  	s2 =	sld [smem:$0x3F9A];
	s0 =	simm.s32 @p1 $0x1  }
0x15: {  	[smem:$0x3FB7] =	sst s0;
	s0 =	simm.s32 @!p2 $0x0  }
0x16: {  	s3 =	sld [smem:$0x3FDB];
	s0 =	simm.s32 @p2 $0x1  }
0x17: {  	s4 =	simm.s32 $0x1BF5;
	[smem:$0x3FB9] =	sst s0  }
0x18: {  	s0 =	sld [smem:$0x3F9C];
	_ =	swait.ge [sflag:s4], $0x0  }
0x19: {  	s7 =	sld [smem:$0x3F9D]  }
0x1a: {  	s8 =	sadd.s32 $0xFFFFE003, lr  }
0x1b: {  	s9 =	sadd.s32 $0xFFFFFEF7, lr;
	s5 =	simm.s32 $0xFFFFFFFF;
	p2 =	slt.u32 s8, $0xFFFFF086  }
0x1c: {  	p1 =	slt.u32 s9, $0xF7A;
	s5 =	simm.s32 @!p2 $0x0  }
0x1d: {  	s5 =	simm.s32 @p1 $0x1;
	p0 =	seq.s32 s7, s2  }
0x1e: {  	s7 =	smul.u32 @!p0 $0xF7A, s2;
	p2 =	seq.s32 @!p0 s5, $0x0  }
0x1f: {  	s9 =	smul.u32 $0xF7A, s1;
	s8 =	simm.s32 @!p0 $0x1BF5;
	p2 =	por !p2, p0  }
0x20: {  	[sflag:s8] =	ssyncset.s32 @!p0 $0xFFFFF086;
	s6 =	sadd.s32 @!p0 s3, s7;
	s7 =	simm.s32 @!p0 $0x108  }
0x21: {  	s3 =	sadd.s32 s3, s9;
	s6 =	sadd.s32 @!p0 $0x88, s6;
	s7 =	simm.s32 @p2 $0x1082  }
0x22: {  	[simem:s7], [sflag:s8] =	dma.local @!p0 [hbm:s6], $0xF7A  }
0x23: {  	s9 =	sor.u32 $0xD0000000, s2;
	s6 =	simm.s32 $0x108;
	_ =	swait.ge @!p0 [sflag:s8], $0x0  }
0x24: {  	s3 =	sadd.s32 $0x88, s3;
	s6 =	simm.s32 @!p1 $0x1082;
	[sflag:s4] =	ssyncset.s32 $0xFFFFF086  }
0x25: {  	[simem:s6], [sflag:s4] =	dma.local [hbm:s3], $0xF7A  }
0x26: {  	[smem:$0x3F9D] =	sst s1;
	(tag) =	ssettag s2;
	_ =	strace s9  }
0x27: {  	s1 =	sld [smem:$0x3FAD]  }
0x28: {  	s2 =	sld [smem:$0x3FAE]  }
0x29: {  	s4 =	sld [smem:$0x3FB0]  }
0x2a: {  	p0 =	seq.s32 s5, $0x0;
	s5 =	sld [smem:$0x3FB1]  }
0x2b: {  	s6 =	sld [smem:$0x3FB2]  }
0x2c: {  	s7 =	sld [smem:$0x3FB3]  }
0x2d: {  	s3 =	simm.s32 $0x108;
	s8 =	sld [smem:$0x3FB4]  }
0x2e: {  	s3 =	simm.s32 @!p0 $0x1082;
	s9 =	sld [smem:$0x3FB5]  }
0x2f: {  	lr =	sadd.s32 s0, s3;
	s0 =	sld [smem:$0x3FAC]  }
0x30: {  	s3 =	sld [smem:$0x3FAF]  }
0x31: {  	[smem:$0x3FB8] =	sst s10  }
0x32: {  	s10 =	sld [smem:$0x3FB6];
	_ =	sdelay $0x3  }
0x33: {  	p0 =	seq.s32 s10, $0x1;
	s10 =	sld [smem:$0x3FB8];
	_ =	sdelay $0x3  }
0x34: {  	[smem:$0x3FB8] =	sst s10  }
0x35: {  	s10 =	sld [smem:$0x3FB7];
	_ =	sdelay $0x3  }
0x36: {  	p1 =	seq.s32 s10, $0x1;
	s10 =	sld [smem:$0x3FB8];
	_ =	sdelay $0x3  }
0x37: {  	[smem:$0x3FB8] =	sst s10  }
0x38: {  	s10 =	sld [smem:$0x3FB9]  }
0x39: {  	_ = 	snop;
	(pc) =	sbr.ind lr, $3  }
0x3a: {  	_ = 	snop  }
0x3b: {  	_ = 	snop  }
0x3c: {  	p2 =	seq.s32 s10, $0x1;
	s10 =	sld [smem:$0x3FB8]  }
0x3d: {  	_ =	shalt  }
0x3e: {  	_ =	shalt  }
0x3f: {  	_ =	shalt  }
0x40: {  	_ =	shalt  }
0x41: {  	_ =	shalt  }
0x42: {  	_ =	shalt  }
0x43: {  	_ =	shalt  }
0x44: {  	_ =	shalt  }
0x45: {  	_ =	shalt  }
0x46: {  	_ =	shalt  }
0x47: {  	_ =	shalt  }
0x48: {  	_ =	shalt  }
0x49: {  	_ =	shalt  }
0x4a: {  	_ =	shalt  }
0x4b: {  	_ =	shalt  }
0x4c: {  	_ =	shalt  }
0x4d: {  	_ =	shalt  }
0x4e: {  	_ =	shalt  }
0x4f: {  	_ =	shalt  }
0x50: {  	_ =	shalt  }
0x51: {  	_ =	shalt  }
0x52: {  	_ =	shalt  }
0x53: {  	_ =	shalt  }
0x54: {  	_ =	shalt  }
0x55: {  	_ =	shalt  }
0x56: {  	_ =	shalt  }
0x57: {  	_ =	shalt  }
0x58: {  	_ =	shalt  }
0x59: {  	_ =	shalt  }
0x5a: {  	_ =	shalt  }
0x5b: {  	_ =	shalt  }
0x5c: {  	_ =	shalt  }
0x5d: {  	_ =	shalt  }
0x5e: {  	_ =	shalt  }
0x5f: {  	_ =	shalt  }
0x60: {  	_ =	shalt  }
0x61: {  	_ =	shalt  }
0x62: {  	_ =	shalt  }
0x63: {  	_ =	shalt  }
0x64: {  	_ =	shalt  }
0x65: {  	_ =	shalt  }
0x66: {  	_ =	shalt  }
0x67: {  	_ =	shalt  }
0x68: {  	_ =	shalt  }
0x69: {  	_ =	shalt  }
0x6a: {  	_ =	shalt  }
0x6b: {  	_ =	shalt  }
0x6c: {  	_ =	shalt  }
0x6d: {  	_ =	shalt  }
0x6e: {  	_ =	shalt  }
0x6f: {  	_ =	shalt  }
0x70: {  	_ =	shalt  }
0x71: {  	_ =	shalt  }
0x72: {  	_ =	shalt  }
0x73: {  	_ =	shalt  }
0x74: {  	_ =	shalt  }
0x75: {  	_ =	shalt  }
0x76: {  	_ =	shalt  }
0x77: {  	_ =	shalt  }
0x78: {  	_ =	shalt  }
0x79: {  	_ =	shalt  }
0x7a: {  	_ =	shalt  }
0x7b: {  	_ =	shalt  }
0x7c: {  	_ =	shalt  }
0x7d: {  	_ =	shalt  }
0x7e: {  	_ =	shalt  }
0x7f: {  	_ =	shalt  }
0x80: {  	_ =	shalt  }
0x81: {  	_ =	shalt  }
0x82: {  	_ =	shalt  }
0x83: {  	_ =	shalt  }
0x84: {  	_ =	shalt  }
0x85: {  	_ =	shalt  }
0x86: {  	_ =	shalt  }
0x87: {  	_ =	shalt  }
.Lfunc_end0:
.L_simem_size_0:
called_computation.1_lowered:
.L_overlay_start_0:
0x88: {  	s2 =	sld [smem:$0x3FD9]  }
0x89: {  	s3 =	sld [smem:$0x3FFE];
	_ =	sdelay $0x1  }
0x8a: {  	s1 =	srdreg.scid  }
0x8b: {  	s0 =	sand.u32 $0x1, s1  }
0x8c: {  	s17 =	sshll.u32 s0, $0xA;
	s2 =	sadd.s32 s3, s2  }
0x8d: {  	s2 =	sadd.s32 s2, s17  }
0x8e: {  	[smem:$0x3FC4] =	sst s2  }
0x8f: {  	_ = 	snop  }
0x90: {  	s2 =	sld [smem:$0x3FD0];
	(tm) =	ssettm $0x1  }
0x91: {  	s18 =	sld [smem:$0x3FFB];
	_ =	sdelay $0x3  }
0x92: {  	_ =	strace s18  }
0x93: {  	s3 =	sld [smem:$0x3FFC];
	_ =	sdelay $0x3  }
0x94: {  	_ =	strace s3  }
0x95: {  	s3 =	sld [smem:$0x3FFD];
	_ =	sdelay $0x3  }
0x96: {  	_ =	strace s3  }
0x97: {  	_ =	strace $0x8FFFFFFF  }
0x98: {  	s19 =	sld [smem:$0x3FDB];
	_ =	sdelay $0x1  }
0x99: {  	s4 =	simm.s32 $_scs_section_size  }
0x9a: {  	s5 =	simm.s32 $_size__tile_overlayer_lowered;
	s6 =	simm.s32 $_tile_overlayer_lowered  }
0x9b: {  	s22 =	simm.s32 $0x1BFF;
	s21 =	sshll.u32 s6, $0x1;
	s3 =	sadd.s32 s4, s19  }
0x9c: {  	s7 =	simm.s32 $0x0;
	s20 =	sshll.u32 s5, $0x1;
	s5 =	sadd.s32 s21, s3  }
0x9d: {  	[timem:s7], [sflag:s22] =	dma.local [hbm:s5], s20  }
0x9e: {  	_ =	swait.ge [sflag:s22], s20  }
0x9f: {  	s4 =	ssub.s32 $0x0, s20;
	[sflag:s22] =	ssyncset.done $0x0  }
0xa0: {  	[sflag:s22] =	ssyncadd.s32 s4;
	_ =	sdelay $0x1  }
0xa1: {  	s23 =	simm.s32 $0x1B8B  }
0xa2: {  	_ =	swait.ge [sflag:s23], $0x1  }
0xa3: {  	[sflag:s23] =	ssyncset.done $0x0  }
0xa4: {  	s25 =	simm.s32 $0x1B8E;
	s24 =	sld [smem:$0x3FFE];
	[sflag:s23] =	ssyncadd.s32 $0xFFFFFFFF  }
0xa5: {  	s26 =	simm.s32 $execute0_lowered;
	[smem:$0x3FD2] =	sst s25  }
0xa6: {  	s5 =	sshll.u32 s26, $0x1;
	_ =	strace $0x80000046;
	[dreg:$0x1] =	wrdreg $0xFFFFFFFF  }
0xa7: {  	s28 =	simm.s32 $_size_execute0_lowered;
	s3 =	sadd.s32 s3, s5;
	[dreg:$0x0] =	wrdreg $0x0  }
0xa8: {  	s5 =	sshll.u32 s28, $0x1;
	[dreg:$0x2] =	wrdreg s3  }
0xa9: {  	[dreg:$0x3] =	wrdreg s5  }
0xaa: {  	[dreg:$0x4] =	wrdreg $0xC0  }
0xab: {  	_ =	task [dreg:s7], $0x5FFFF  }
0xac: {  	[dreg:$0x1] =	wrdreg $0xFFFFFFFF  }
0xad: {  	[dreg:$0x0] =	wrdreg $0x60  }
0xae: {  	[dreg:$0x2] =	wrdreg s24  }
0xaf: {  	[dreg:$0x3] =	wrdreg s2  }
0xb0: {  	[dreg:$0x4] =	wrdreg $0x9  }
0xb1: {  	_ =	task.clear_ibuf [dreg:s7], $0x5FFFF;
	_ =	strace $0x90000046  }
0xb2: {  	s29 =	simm.s32 $0x9;
	_ =	strace $0x80000048  }
0xb3: {  	_ =	swait.ge [sflag:s29], $0x1  }
0xb4: {  	[sflag:s29] =	ssyncadd.s32 $0xFFFFFFFF  }
0xb5: {  	_ =	strace $0x90000048  }
0xb6: {  	_ =	sfence  }
0xb7: {  	s30 =	sld [smem:$0x0];
	_ =	sdelay $0x2  }
0xb8: {  	s31 =	sshll.u32 s1, $0xD;
	s1 =	sshrl.u32 s1, $0x2  }
0xb9: {  	s3 =	sand.u32 $0x4000, s31;
	s1 =	sadd.s32 s1, s30  }
0xba: {  	s0 =	sor.u32 s3, s0;
	s1 =	sshll.u32 s1, $0x11  }
0xbb: {  	s0 =	sor.u32 s1, s0  }
0xbc: {  	s0 =	sadd.s32 $0x8F2B, s0  }
0xbd: {  	[sflag:s0] =	ssyncadd.remote.s32 $0x1  }
0xbe: {  	_ =	sfence.sel $0xFFFF  }
0xbf: {  	[dreg:$0x0] =	wrdreg $0xFFFFFFFF;
	(pc) =	sbr.abs _section_cstart, $3  }
0xc0: {  	[dreg:$0x1] =	wrdreg $0xFFFFFFFF  }
0xc1: {  	_ =	task.clear_ibuf [dreg:s7], $0x2FFFF;
	_ =	strace $0x9FFFFFFF  }
0xc2: {  	(tm) =	ssettm $0x7FFFFFFF  }
0xc3: {  	_ =	shalt  }
tec
execute0_lowered:
.L_overlay_start_1:
0x0: {  	(tag) =	ssettag $0x1  }
0x1: {  	s1 =	srdreg.scid;
	s0 =	stileid.u32  }
0x2: {  	s17 =	sand.u32 $0x1, s1;
	s30 =	sshll.u32 s0, $0x1  }
0x3: {  	s5 =	rddreg [dreg:$0x0];
	s8 =	sor.u32 s17, s30  }
0x4: {  	s16 =	rddreg [dreg:$0x1];
	s18 =	smul.u32 $0x6400, s8  }
0x5: {  	s2 =	simm.s32 $0x0;
	s1 =	rddreg [dreg:$0x2]  }
0x6: {  	[smem:$0x7FF] =	sst s2;
	s15 =	sadd.s32 $0x1000, s5;
	s3 =	sshrl.u32 s18, $0x3  }
0x7: {  	_ =	strace $0x80000047;
	s4 =	sadd.s32 s15, s3;
	s3 =	simm.s32 $0x2  }
0x8: {  	[tilespmem:s2], [sflag:$0x2] =	stream.linear.gather [hbm4b:s4+s2], $0x1400, $0x38;
	[tilespmem:$0x15400] =	vst v63  }
0x9: {  	_ =	swait.ge [sflag:s3], $0x1400  }
0xa: {  	s6 =	simm.s32 $0x1400;
	[sflag:s3] =	ssyncset.done $0x0  }
0xb: {  	s7 =	simm.s32 $0x1;
	s5 =	sadd.s32 $0x1A000, s5;
	[sflag:s3] =	ssyncadd.s32 $0xFFFFEC00  }
0xc: {  	[tilespmem:s6], [sflag:$0x1] =	stream.indirect.gather [hbm4b:s5+s6], $0x10, s2, s6, $0xb8;
	[tilespmem:$0x15400] =	vst v63  }
0xd: {  	s8 =	smul.u32 $0xC800, s8;
	_ =	swait.ge [sflag:s7], $0x14000  }
0xe: {  	[sflag:s7] =	ssyncset.done $0x0  }
0xf: {  	s8 =	sadd.s32 s16, s8;
	[sflag:s7] =	ssyncadd.s32 $0xFFFEC000  }
0x10: {  	[hbm4b:s8+s2] =	stream.linear.scatter [tilespmem:s6], [sflag:$0x2], $0x14000, $0x38;
	[tilespmem:$0x15400] =	vst v63  }
0x11: {  	s10 =	sadd.s32 $0x1400, s18;
	_ =	swait.ge [sflag:s3], $0x14000  }
0x12: {  	s9 =	sshrl.u32 s10, $0x3;
	[sflag:s3] =	ssyncset.done $0x0  }
0x13: {  	s9 =	sadd.s32 s15, s9;
	[sflag:s3] =	ssyncadd.s32 $0xFFFEC000  }
0x14: {  	[tilespmem:s2], [sflag:$0x2] =	stream.linear.gather [hbm4b:s9+s2], $0x1400, $0x38;
	[tilespmem:$0x15400] =	vst v63  }
0x15: {  	_ =	swait.ge [sflag:s3], $0x1400  }
0x16: {  	[sflag:s3] =	ssyncset.done $0x0  }
0x17: {  	[sflag:s3] =	ssyncadd.s32 $0xFFFFEC00  }
0x18: {  	[tilespmem:s6], [sflag:$0x1] =	stream.indirect.gather [hbm4b:s5+s6], $0x10, s2, s6, $0xb8;
	[tilespmem:$0x15400] =	vst v63  }
0x19: {  	_ =	swait.ge [sflag:s7], $0x14000  }
0x1a: {  	s10 =	sshll.u32 s10, $0x1;
	[sflag:s7] =	ssyncset.done $0x0  }
0x1b: {  	s10 =	sadd.s32 s16, s10;
	[sflag:s7] =	ssyncadd.s32 $0xFFFEC000  }
0x1c: {  	[hbm4b:s10+s2] =	stream.linear.scatter [tilespmem:s6], [sflag:$0x2], $0x14000, $0x38;
	[tilespmem:$0x15400] =	vst v63  }
0x1d: {  	s12 =	sadd.s32 $0x2800, s18;
	_ =	swait.ge [sflag:s3], $0x14000  }
0x1e: {  	s11 =	sshrl.u32 s12, $0x3;
	[sflag:s3] =	ssyncset.done $0x0  }
0x1f: {  	s11 =	sadd.s32 s15, s11;
	[sflag:s3] =	ssyncadd.s32 $0xFFFEC000  }
0x20: {  	[tilespmem:s2], [sflag:$0x2] =	stream.linear.gather [hbm4b:s11+s2], $0x1400, $0x38;
	[tilespmem:$0x15400] =	vst v63  }
0x21: {  	_ =	swait.ge [sflag:s3], $0x1400  }
0x22: {  	[sflag:s3] =	ssyncset.done $0x0  }
0x23: {  	[sflag:s3] =	ssyncadd.s32 $0xFFFFEC00  }
0x24: {  	[tilespmem:s6], [sflag:$0x1] =	stream.indirect.gather [hbm4b:s5+s6], $0x10, s2, s6, $0xb8;
	[tilespmem:$0x15400] =	vst v63  }
0x25: {  	_ =	swait.ge [sflag:s7], $0x14000  }
0x26: {  	s12 =	sshll.u32 s12, $0x1;
	[sflag:s7] =	ssyncset.done $0x0  }
0x27: {  	s12 =	sadd.s32 s16, s12;
	[sflag:s7] =	ssyncadd.s32 $0xFFFEC000  }
0x28: {  	[hbm4b:s12+s2] =	stream.linear.scatter [tilespmem:s6], [sflag:$0x2], $0x14000, $0x38;
	[tilespmem:$0x15400] =	vst v63  }
0x29: {  	s14 =	sadd.s32 $0x3C00, s18;
	_ =	swait.ge [sflag:s3], $0x14000  }
0x2a: {  	s13 =	sshrl.u32 s14, $0x3;
	[sflag:s3] =	ssyncset.done $0x0  }
0x2b: {  	s13 =	sadd.s32 s15, s13;
	[sflag:s3] =	ssyncadd.s32 $0xFFFEC000  }
0x2c: {  	[tilespmem:s2], [sflag:$0x2] =	stream.linear.gather [hbm4b:s13+s2], $0x1400, $0x38;
	[tilespmem:$0x15400] =	vst v63  }
0x2d: {  	_ =	swait.ge [sflag:s3], $0x1400  }
0x2e: {  	[sflag:s3] =	ssyncset.done $0x0  }
0x2f: {  	[sflag:s3] =	ssyncadd.s32 $0xFFFFEC00  }
0x30: {  	[tilespmem:s6], [sflag:$0x1] =	stream.indirect.gather [hbm4b:s5+s6], $0x10, s2, s6, $0xb8;
	[tilespmem:$0x15400] =	vst v63  }
0x31: {  	_ =	swait.ge [sflag:s7], $0x14000  }
0x32: {  	s14 =	sshll.u32 s14, $0x1;
	[sflag:s7] =	ssyncset.done $0x0  }
0x33: {  	s14 =	sadd.s32 s16, s14;
	[sflag:s7] =	ssyncadd.s32 $0xFFFEC000  }
0x34: {  	[hbm4b:s14+s2] =	stream.linear.scatter [tilespmem:s6], [sflag:$0x2], $0x14000, $0x38;
	[tilespmem:$0x15400] =	vst v63  }
0x35: {  	s18 =	sadd.s32 $0x5000, s18;
	_ =	swait.ge [sflag:s3], $0x14000  }
0x36: {  	s19 =	sshrl.u32 s18, $0x3;
	[sflag:s3] =	ssyncset.done $0x0  }
0x37: {  	s17 =	ssub.s32 $0x2, s17;
	s15 =	sadd.s32 s15, s19;
	[sflag:s3] =	ssyncadd.s32 $0xFFFEC000  }
0x38: {  	[tilespmem:s2], [sflag:$0x2] =	stream.linear.gather [hbm4b:s15+s2], $0x1400, $0x38;
	[tilespmem:$0x15400] =	vst v63  }
0x39: {  	s31 =	sshrl.u32 s17, $0x1;
	_ =	swait.ge [sflag:s3], $0x1400  }
0x3a: {  	s17 =	ssub.s32 s17, s31;
	[sflag:s3] =	ssyncset.done $0x0  }
0x3b: {  	s17 =	smax.u32 s17, $0x1;
	[sflag:s3] =	ssyncadd.s32 $0xFFFFEC00  }
0x3c: {  	[tilespmem:s6], [sflag:$0x1] =	stream.indirect.gather [hbm4b:s5+s6], $0x10, s2, s6, $0xb8;
	[tilespmem:$0x15400] =	vst v63  }
0x3d: {  	p0 =	sne.s32 s17, $0x1;
	_ =	swait.ge [sflag:s7], $0x14000  }
.Ltmp0:
0x3e: {  	s18 =	sshll.u32 s18, $0x1;
	[sflag:s7] =	ssyncset.done $0x0;
	(pc) =	sbr.rel @!p0 .LBB2_2-.Ltmp0, $4  }
0x3f: {  	s16 =	sadd.s32 s16, s18;
	[sflag:s7] =	ssyncadd.s32 $0xFFFEC000  }
0x40: {  	[hbm4b:s16+s2] =	stream.linear.scatter [tilespmem:s6], [sflag:$0x2], $0x14000, $0x38;
	[tilespmem:$0x15400] =	vst v63  }
0x41: {  	_ =	swait.ge [sflag:s3], $0x14000  }
0x42: {  	s17 =	sadd.s32 $0xFFFFFFFF, s17;
	[sflag:s3] =	ssyncset.done $0x0  }
.LBB2_1:
0x43: {  	p0 =	sne.s32 s17, $0x1;
	s17 =	sadd.s32 $0xFFFFFFFF, s17;
	[sflag:s3] =	ssyncadd.s32 $0xFFFEC000  }
0x44: {  	[tilespmem:s2], [sflag:$0x2] =	stream.linear.gather [hbm4b:s4+s2], $0x1400, $0x38;
	[tilespmem:$0x15400] =	vst v63  }
0x45: {  	_ =	swait.ge [sflag:s3], $0x1400  }
0x46: {  	[sflag:s3] =	ssyncset.done $0x0  }
0x47: {  	[sflag:s3] =	ssyncadd.s32 $0xFFFFEC00  }
0x48: {  	[tilespmem:s6], [sflag:$0x1] =	stream.indirect.gather [hbm4b:s5+s6], $0x10, s2, s6, $0xb8;
	[tilespmem:$0x15400] =	vst v63  }
0x49: {  	_ =	swait.ge [sflag:s7], $0x14000  }
0x4a: {  	[sflag:s7] =	ssyncset.done $0x0  }
0x4b: {  	[sflag:s7] =	ssyncadd.s32 $0xFFFEC000  }
0x4c: {  	[hbm4b:s8+s2] =	stream.linear.scatter [tilespmem:s6], [sflag:$0x2], $0x14000, $0x38;
	[tilespmem:$0x15400] =	vst v63  }
0x4d: {  	_ =	swait.ge [sflag:s3], $0x14000  }
0x4e: {  	[sflag:s3] =	ssyncset.done $0x0  }
0x4f: {  	[sflag:s3] =	ssyncadd.s32 $0xFFFEC000  }
0x50: {  	[tilespmem:s2], [sflag:$0x2] =	stream.linear.gather [hbm4b:s9+s2], $0x1400, $0x38;
	[tilespmem:$0x15400] =	vst v63  }
0x51: {  	_ =	swait.ge [sflag:s3], $0x1400  }
0x52: {  	[sflag:s3] =	ssyncset.done $0x0  }
0x53: {  	[sflag:s3] =	ssyncadd.s32 $0xFFFFEC00  }
0x54: {  	[tilespmem:s6], [sflag:$0x1] =	stream.indirect.gather [hbm4b:s5+s6], $0x10, s2, s6, $0xb8;
	[tilespmem:$0x15400] =	vst v63  }
0x55: {  	_ =	swait.ge [sflag:s7], $0x14000  }
0x56: {  	[sflag:s7] =	ssyncset.done $0x0  }
0x57: {  	[sflag:s7] =	ssyncadd.s32 $0xFFFEC000  }
0x58: {  	[hbm4b:s10+s2] =	stream.linear.scatter [tilespmem:s6], [sflag:$0x2], $0x14000, $0x38;
	[tilespmem:$0x15400] =	vst v63  }
0x59: {  	_ =	swait.ge [sflag:s3], $0x14000  }
0x5a: {  	[sflag:s3] =	ssyncset.done $0x0  }
0x5b: {  	[sflag:s3] =	ssyncadd.s32 $0xFFFEC000  }
0x5c: {  	[tilespmem:s2], [sflag:$0x2] =	stream.linear.gather [hbm4b:s11+s2], $0x1400, $0x38;
	[tilespmem:$0x15400] =	vst v63  }
0x5d: {  	_ =	swait.ge [sflag:s3], $0x1400  }
0x5e: {  	[sflag:s3] =	ssyncset.done $0x0  }
0x5f: {  	[sflag:s3] =	ssyncadd.s32 $0xFFFFEC00  }
0x60: {  	[tilespmem:s6], [sflag:$0x1] =	stream.indirect.gather [hbm4b:s5+s6], $0x10, s2, s6, $0xb8;
	[tilespmem:$0x15400] =	vst v63  }
0x61: {  	_ =	swait.ge [sflag:s7], $0x14000  }
0x62: {  	[sflag:s7] =	ssyncset.done $0x0  }
0x63: {  	[sflag:s7] =	ssyncadd.s32 $0xFFFEC000  }
0x64: {  	[hbm4b:s12+s2] =	stream.linear.scatter [tilespmem:s6], [sflag:$0x2], $0x14000, $0x38;
	[tilespmem:$0x15400] =	vst v63  }
0x65: {  	_ =	swait.ge [sflag:s3], $0x14000  }
0x66: {  	[sflag:s3] =	ssyncset.done $0x0  }
0x67: {  	[sflag:s3] =	ssyncadd.s32 $0xFFFEC000  }
0x68: {  	[tilespmem:s2], [sflag:$0x2] =	stream.linear.gather [hbm4b:s13+s2], $0x1400, $0x38;
	[tilespmem:$0x15400] =	vst v63  }
0x69: {  	_ =	swait.ge [sflag:s3], $0x1400  }
0x6a: {  	[sflag:s3] =	ssyncset.done $0x0  }
0x6b: {  	[sflag:s3] =	ssyncadd.s32 $0xFFFFEC00  }
0x6c: {  	[tilespmem:s6], [sflag:$0x1] =	stream.indirect.gather [hbm4b:s5+s6], $0x10, s2, s6, $0xb8;
	[tilespmem:$0x15400] =	vst v63  }
0x6d: {  	_ =	swait.ge [sflag:s7], $0x14000  }
0x6e: {  	[sflag:s7] =	ssyncset.done $0x0  }
0x6f: {  	[sflag:s7] =	ssyncadd.s32 $0xFFFEC000  }
0x70: {  	[hbm4b:s14+s2] =	stream.linear.scatter [tilespmem:s6], [sflag:$0x2], $0x14000, $0x38;
	[tilespmem:$0x15400] =	vst v63  }
0x71: {  	_ =	swait.ge [sflag:s3], $0x14000  }
0x72: {  	[sflag:s3] =	ssyncset.done $0x0  }
0x73: {  	[sflag:s3] =	ssyncadd.s32 $0xFFFEC000  }
0x74: {  	[tilespmem:s2], [sflag:$0x2] =	stream.linear.gather [hbm4b:s15+s2], $0x1400, $0x38;
	[tilespmem:$0x15400] =	vst v63  }
0x75: {  	_ =	swait.ge [sflag:s3], $0x1400  }
0x76: {  	[sflag:s3] =	ssyncset.done $0x0  }
0x77: {  	[sflag:s3] =	ssyncadd.s32 $0xFFFFEC00  }
0x78: {  	[tilespmem:s6], [sflag:$0x1] =	stream.indirect.gather [hbm4b:s5+s6], $0x10, s2, s6, $0xb8;
	[tilespmem:$0x15400] =	vst v63  }
0x79: {  	_ =	swait.ge [sflag:s7], $0x14000  }
.Ltmp1:
0x7a: {  	[sflag:s7] =	ssyncset.done $0x0;
	(pc) =	sbr.rel @p0 .LBB2_1-.Ltmp1, $4  }
0x7b: {  	[sflag:s7] =	ssyncadd.s32 $0xFFFEC000  }
0x7c: {  	[hbm4b:s16+s2] =	stream.linear.scatter [tilespmem:s6], [sflag:$0x2], $0x14000, $0x38;
	[tilespmem:$0x15400] =	vst v63  }
0x7d: {  	_ =	swait.ge [sflag:s3], $0x14000  }
0x7e: {  	[sflag:s3] =	ssyncset.done $0x0  }
.LBB2_2:
0x7f: {  	[sflag:s3] =	ssyncadd.s32 $0xFFFEC000  }
0x80: {  	_ =	sfence.sel $0x180000  }
0x81: {  	[bflag:$0x0] =	sbarrier.arrive $0xFFFF  }
0x82: {  	p0 =	sne.s32 s0, $0x0;
	_ =	strace $0x90000047  }
0x83: {  	s0 =	sadd.s32 @!p0 $0x100000, s1;
	[bflag:$0x2] =	sbarrier.arrive $0xFFFF  }
0x84: {  	[sflag:s0] =	ssyncadd.tile.s32 @!p0 $0x1;
	_ =	shalt  }
.Lfunc_end2:
_tile_overlayer_lowered:
.L_overlay_start_2:
0x85: {  	(tag) =	ssettag $0x2  }
0x86: {  	s0 =	rddreg [dreg:$0x0];
	s2 =	stileid.u32  }
0x87: {  	s1 =	rddreg [dreg:$0x1];
	p0 =	sne.s32 s2, $0x0  }
0x88: {  	s3 =	rddreg [dreg:$0x2];
	[bflag:$0x3] =	sbarrier.arrive $0xFFFF;
	s2 =	simm.s32 @!p0 $0x1C02  }
0x89: {  	[timem:s3], [sflag:s2] =	dma.local @!p0 [hbm:s0], s1  }
0x8a: {  	s0 =	simm.s32 @!p0 $0x2  }
0x8b: {  	_ =	swait.ge @!p0 [sflag:s0], s1  }
0x8c: {  	s1 =	ssub.s32 @!p0 $0x0, s1;
	[sflag:s0] =	ssyncset.done @!p0 $0x0  }
0x8d: {  	[sflag:s0] =	ssyncadd.s32 @!p0 s1  }
0x8e: {  	[bflag:$0x3] =	sbarrier.arrive $0xFFFF  }
0x8f: {  	_ =	shalt  }

// kernel: sparse-core-data-format-call.cloned.1.call-start
scs
called_computation_lowered:
.L_overlay_start_0:
0x0: {  	s2 =	sld [smem:$0x3FD9]  }
0x1: {  	s3 =	sld [smem:$0x3FFE];
	_ =	sdelay $0x1  }
0x2: {  	s1 =	srdreg.scid  }
0x3: {  	s0 =	sand.u32 $0x1, s1  }
0x4: {  	s18 =	sshll.u32 s0, $0xA;
	s2 =	sadd.s32 s3, s2  }
0x5: {  	s2 =	sadd.s32 s2, s18  }
0x6: {  	[smem:$0x3FC4] =	sst s2  }
0x7: {  	_ = 	snop  }
0x8: {  	s2 =	sld [smem:$0x3FD0];
	(tm) =	ssettm $0x1  }
0x9: {  	s19 =	sld [smem:$0x3FFB];
	_ =	sdelay $0x3  }
0xa: {  	_ =	strace s19  }
0xb: {  	s3 =	sld [smem:$0x3FFC];
	_ =	sdelay $0x3  }
0xc: {  	_ =	strace s3  }
0xd: {  	s3 =	sld [smem:$0x3FFD];
	_ =	sdelay $0x3  }
0xe: {  	_ =	strace s3  }
0xf: {  	_ =	strace $0x8FFFFFFF  }
0x10: {  	s20 =	sld [smem:$0x3FDB];
	_ =	sdelay $0x1  }
0x11: {  	s4 =	simm.s32 $_scs_section_size  }
0x12: {  	s5 =	simm.s32 $_size__tile_overlayer_lowered;
	s6 =	simm.s32 $_tile_overlayer_lowered  }
0x13: {  	s23 =	simm.s32 $0x1BFF;
	s22 =	sshll.u32 s6, $0x1;
	s3 =	sadd.s32 s4, s20  }
0x14: {  	s7 =	simm.s32 $0x0;
	s21 =	sshll.u32 s5, $0x1;
	s5 =	sadd.s32 s22, s3  }
0x15: {  	[timem:s7], [sflag:s23] =	dma.local [hbm:s5], s21  }
0x16: {  	_ =	swait.ge [sflag:s23], s21  }
0x17: {  	s4 =	ssub.s32 $0x0, s21;
	[sflag:s23] =	ssyncset.done $0x0  }
0x18: {  	[sflag:s23] =	ssyncadd.s32 s4;
	_ =	sdelay $0x1  }
0x19: {  	s24 =	simm.s32 $0x1B8B  }
0x1a: {  	_ =	swait.ge [sflag:s24], $0x1  }
0x1b: {  	[sflag:s24] =	ssyncset.done $0x0  }
0x1c: {  	s26 =	simm.s32 $0x1B8E;
	s25 =	sld [smem:$0x3FFE];
	[sflag:s24] =	ssyncadd.s32 $0xFFFFFFFF  }
0x1d: {  	s27 =	simm.s32 $execute0_lowered;
	[smem:$0x3FD2] =	sst s26  }
0x1e: {  	s5 =	sshll.u32 s27, $0x1;
	_ =	strace $0x80000049;
	[dreg:$0x1] =	wrdreg $0xFFFFFFFF  }
0x1f: {  	s28 =	simm.s32 $_size_execute0_lowered;
	s3 =	sadd.s32 s3, s5;
	[dreg:$0x0] =	wrdreg $0x0  }
0x20: {  	s5 =	sshll.u32 s28, $0x1;
	[dreg:$0x2] =	wrdreg s3  }
0x21: {  	[dreg:$0x3] =	wrdreg s5  }
0x22: {  	[dreg:$0x4] =	wrdreg $0xC0  }
0x23: {  	_ =	task [dreg:s7], $0x5FFFF  }
0x24: {  	[dreg:$0x1] =	wrdreg $0xFFFFFFFF  }
0x25: {  	[dreg:$0x0] =	wrdreg $0x60  }
0x26: {  	[dreg:$0x2] =	wrdreg s25  }
0x27: {  	[dreg:$0x3] =	wrdreg s2  }
0x28: {  	[dreg:$0x4] =	wrdreg $0x9  }
0x29: {  	_ =	task.clear_ibuf [dreg:s7], $0x5FFFF;
	_ =	strace $0x90000049  }
0x2a: {  	s29 =	simm.s32 $0x9;
	_ =	strace $0x8000004B  }
0x2b: {  	_ =	swait.ge [sflag:s29], $0x1  }
0x2c: {  	[sflag:s29] =	ssyncadd.s32 $0xFFFFFFFF  }
0x2d: {  	_ =	strace $0x9000004B  }
0x2e: {  	_ =	sfence  }
0x2f: {  	s30 =	sld [smem:$0x0];
	_ =	sdelay $0x2  }
0x30: {  	s31 =	sshll.u32 s1, $0xD;
	s1 =	sshrl.u32 s1, $0x2  }
0x31: {  	s3 =	sand.u32 $0x4000, s31;
	s1 =	sadd.s32 s1, s30  }
0x32: {  	s0 =	sor.u32 s3, s0;
	s1 =	sshll.u32 s1, $0x11  }
0x33: {  	s0 =	sor.u32 s1, s0  }
0x34: {  	s0 =	sadd.s32 $0x8F2B, s0  }
0x35: {  	[sflag:s0] =	ssyncadd.remote.s32 $0x1  }
0x36: {  	_ =	sfence.sel $0xFFFF  }
0x37: {  	[dreg:$0x0] =	wrdreg $0xFFFFFFFF;
	(pc) =	sbr.abs _section_cstart, $3  }
0x38: {  	[dreg:$0x1] =	wrdreg $0xFFFFFFFF  }
0x39: {  	_ =	task.clear_ibuf [dreg:s7], $0x2FFFF;
	_ =	strace $0x9FFFFFFF  }
0x3a: {  	(tm) =	ssettm $0x7FFFFFFF  }
0x3b: {  	_ =	shalt  }
tec
execute0_lowered:
.L_overlay_start_1:
0x0: {  	(tag) =	ssettag $0x1  }
0x1: {  	s0 =	srdreg.scid  }
0x2: {  	s1 =	sshll.u32 s0, $0x4  }
0x3: {  	s0 =	stileid.u32;
	s1 =	sand.u32 $0x10, s1  }
0x4: {  	s7 =	rddreg [dreg:$0x0];
	s1 =	sor.u32 s0, s1  }
0x5: {  	s4 =	simm.s32 $0x1;
	s8 =	simm.s32 $0x2;
	s2 =	sshll.u32 s1, $0x7  }
0x6: {  	s13 =	simm.s32 $0x0;
	s9 =	simm.s32 $0x20000;
	s1 =	ssub.s32 $0x4000, s2  }
0x7: {  	s14 =	simm.s32 $0x0;
	s11 =	simm.s32 $0x0;
	s3 =	sand.u32 $0xF80, s1  }
0x8: {  	s12 =	simm.s32 $0x0;
	s5 =	sshrl.u32 s1, $0xC;
	p0 =	sne.s32 s3, $0x0  }
.Ltmp0:
0x9: {  	s1 =	rddreg [dreg:$0x2];
	s4 =	simm.s32 @!p0 $0x0;
	(pc) =	sbr.rel .LBB1_1-.Ltmp0, $4  }
0xa: {  	s6 =	sadd.s32 $0x1000, s7;
	s3 =	rddreg [dreg:$0x1];
	s5 =	sadd.s32 s4, s5  }
0xb: {  	_ =	strace $0x8000004A;
	s4 =	simm.s32 $0x1;
	s5 =	smul.u32 $0x19, s5  }
0xc: {  	s7 =	sadd.s32 $0x41000, s7;
	s10 =	smov.u32 s2;
	[sflag:s4] =	ssyncpa.u1 $0x0  }
0xd: {  	p0 =	por $0x0, $0x0;
	[sflag:s8] =	ssyncpa.u1 $0x0;
	s8 =	sadd.s32 $0x1, s5  }
.LBB1_7:
0xe: {  	s15 =	sadd.s32 $0x1000, s10  }
0xf: {  	s13 =	sadd.s32 $0x2, s11;
	s17 =	smov.u32 s11;
	p2 =	sgt.s32 s15, $0x3FFF  }
0x10: {  	s17 =	smov.u32 @p2 s13  }
0x11: {  	s15 =	smov.u32 @p2 s2;
	p2 =	sgt.s32 s17, $0x31  }
0x12: {  	s17 =	simm.s32 @p2 $0x0;
	p2 =	sne.s32 s12, s8  }
.Ltmp1:
0x13: {  	p1 =	slt.u32 s12, $0x2;
	(pc) =	sbr.rel @!p2 .LBB1_8-.Ltmp1, $4  }
0x14: {  	s16 =	simm.s32 @!p1 $0x2  }
0x15: {  	s14 =	smov.u32 s11;
	p0 =	por !p0, !p0;
	_ =	swait.ge @!p1 [sflag:s16], $0x1000  }
0x16: {  	s13 =	smov.u32 s10;
	[sflag:s16] =	ssyncset.done @!p1 $0x0;
	s10 =	smov.u32 s15  }
0x17: {  	s12 =	sadd.s32 $0x1, s12;
	[sflag:s16] =	ssyncadd.s32 @!p1 $0xFFFFF000;
	s11 =	smov.u32 s17  }
.LBB1_1:
0x18: {  	p1 =	sge.u32 s12, s5  }
0x19: {  	s15 =	sxor.u32 @!p1 $0xFFFFFFFF, s12;
	s16 =	sshll.u32 @!p1 s11, $0x12  }
0x1a: {  	s17 =	sshll.u32 @!p1 s10, $0x4;
	s19 =	simm.s32 @!p1 $0x10;
	s20 =	simm.s32 @!p1 $0x80  }
0x1b: {  	s15 =	sshll.u32 @!p1 s15, $0xC;
	s17 =	sand.u32 @!p1 $0x3FFF0, s17;
	s18 =	sadd.s32 @!p1 s6, s16  }
0x1c: {  	s16 =	sadd.s32 @!p1 s16, s7;
	s15 =	sand.u32 @!p1 $0x1000, s15;
	s18 =	sadd.s32 @!p1 s17, s18  }
0x1d: {  	[tilespmem:s15], [sflag:$0x1] =	stream.strided.gather @!p1 [hbm4b:s18+s19], $0x800, s20, s19, $0x38;
	[tilespmem:$0x4040] =	vst v63  }
0x1e: {  	s31 =	sadd.s32 $0xFFFFFFFF, s12;
	s16 =	sadd.s32 @!p1 s17, s16;
	s15 =	sor.u32 @!p1 $0x800, s15  }
0x1f: {  	[tilespmem:s15], [sflag:$0x1] =	stream.strided.gather @!p1 [hbm4b:s16+s19], $0x800, s20, s19, $0x38;
	[tilespmem:$0x4040] =	vst v63  }
0x20: {  	p1 =	sge.u32 s31, s5  }
.Ltmp2:
0x21: {  	_ = 	snop;
	(pc) =	sbr.rel @p1 .LBB1_7-.Ltmp2, $1  }
0x22: {  	_ =	sdelay $0x3  }
0x23: {  	s15 =	simm.s32 $0x1;
	s17 =	sand.u32 $0x1, s12  }
0x24: {  	_ =	swait.ge [sflag:s4], $0x1000;
	s15 =	simm.s32 @!p0 $0x0;
	s17 =	smul.u32 $0x4080, s17  }
0x25: {  	p2 =	por $0x1, $0x1;
	[sflag:s4] =	ssyncset.done $0x0;
	s16 =	smul.u32 $0x4080, s15  }
0x26: {  	s18 =	sshll.u32 s15, $0xE;
	[sflag:s4] =	ssyncadd.s32 $0xFFFFF000;
	s30 =	sshrl.u32 s17, $0x2  }
0x27: {  	s31 =	sshrl.u32 s18, $0x2;
	s18 =	simm.s32 $0x0;
	s16 =	sshrl.u32 s16, $0x2  }
0x28: {  	s15 =	sor.u32 $0x2000, s30;
	s17 =	sadd.s32 $0x40, s31;
	s16 =	sadd.s32 $0x2007, s16  }
.LBB1_3:
0x29: {  	s19 =	sshll.u32 s18, $0xB  }
0x2a: {  	s19 =	sand.u32 $0x3FFFF800, s19  }
0x2b: {  	s20 =	sadd.s32 s19, s17  }
0x2c: {  	v3 =	vld [tilespmem:s20+$0x30]  }
0x2d: {  	s31 =	smul.u32 $0x2040, s18;
	v4 =	vld [tilespmem:s20+$0xFFFFFFD0]  }
0x2e: {  	v5 =	vld [tilespmem:s20+$0xFFFFFFE0]  }
0x2f: {  	s18 =	sshra.s32 s31, $0x2;
	v0 =	vld [tilespmem:s20+$0xFFFFFFF0]  }
0x30: {  	s18 =	sadd.s32 s18, s16;
	v1 =	vld [tilespmem:s20+$0x0]  }
0x31: {  	v2 =	vld [tilespmem:s20+$0x10];
	[tilespmem:s18+$0x0 ss:$0x81] =	vst.msk $0xffff, v3  }
0x32: {  	[tilespmem:s18+$0xFFFFFFFA ss:$0x81] =	vst.msk $0xffff, v4;
	v3 =	vld [tilespmem:s20+$0x20]  }
0x33: {  	p1 =	por p2, p2;
	s19 =	simm.s32 $0x0;
	v4 =	vld [tilespmem:s20+$0xFFFFFFC0];
	[tilespmem:s18+$0xFFFFFFFB ss:$0x81] =	vst.msk $0xffff, v5;
	s20 =	sadd.s32 $0x80, s20  }
.LBB1_4:
0x34: {  	v5 =	vld [tilespmem:s20+$0x30];
	s19 =	sadd.s32 $0x8, s19;
	[tilespmem:s18+$0xFFFFFFFC ss:$0x81] =	vst.msk $0xffff, v0  }
0x35: {  	v6 =	vld [tilespmem:s20+$0xFFFFFFD0];
	p2 =	slt.u32 s19, $0x78;
	[tilespmem:s18+$0xFFFFFFFD ss:$0x81] =	vst.msk $0xffff, v1  }
0x36: {  	v7 =	vld [tilespmem:s20+$0xFFFFFFE0];
	[tilespmem:s18+$0xFFFFFFFE ss:$0x81] =	vst.msk $0xffff, v2  }
.Ltmp3:
0x37: {  	v0 =	vld [tilespmem:s20+$0xFFFFFFF0];
	[tilespmem:s18+$0xFFFFFFFF ss:$0x81] =	vst.msk $0xffff, v3;
	(pc) =	sbr.rel @p2 .LBB1_4-.Ltmp3, $4  }
0x38: {  	v1 =	vld [tilespmem:s20+$0x0];
	[tilespmem:s18+$0xFFFFFFF9 ss:$0x81] =	vst.msk $0xffff, v4;
	s18 =	sadd.s32 $0x8, s18  }
0x39: {  	v2 =	vld [tilespmem:s20+$0x10];
	[tilespmem:s18+$0x0 ss:$0x81] =	vst.msk $0xffff, v5  }
0x3a: {  	[tilespmem:s18+$0xFFFFFFFA ss:$0x81] =	vst.msk $0xffff, v6;
	v3 =	vld [tilespmem:s20+$0x20]  }
0x3b: {  	v4 =	vld [tilespmem:s20+$0xFFFFFFC0];
	[tilespmem:s18+$0xFFFFFFFB ss:$0x81] =	vst.msk $0xffff, v7;
	s20 =	sadd.s32 $0x80, s20  }
.Ltmp4:
0x3c: {  	[tilespmem:s18+$0xFFFFFFFC ss:$0x81] =	vst.msk $0xffff, v0;
	(pc) =	sbr.rel @p1 .LBB1_3-.Ltmp4, $4  }
0x3d: {  	[tilespmem:s18+$0xFFFFFFFD ss:$0x81] =	vst.msk $0xffff, v1  }
0x3e: {  	[tilespmem:s18+$0xFFFFFFFE ss:$0x81] =	vst.msk $0xffff, v2  }
0x3f: {  	[tilespmem:s18+$0xFFFFFFFF ss:$0x81] =	vst.msk $0xffff, v3  }
0x40: {  	p2 =	por $0x0, $0x0;
	[tilespmem:s18+$0xFFFFFFF9 ss:$0x81] =	vst.msk $0xffff, v4;
	s18 =	simm.s32 $0x1  }
0x41: {  	s16 =	sshll.u32 s13, $0x3;
	s17 =	sand.u32 $0x78, s13;
	s14 =	sshll.u32 s14, $0xF  }
.Ltmp5:
0x42: {  	s30 =	sand.u32 $0x7800, s13;
	s16 =	sand.u32 $0x3C00, s16;
	(pc) =	sbr.rel .LBB1_7-.Ltmp5, $4  }
0x43: {  	s31 =	sand.u32 $0x7, s13;
	s14 =	sadd.s32 s3, s14;
	s16 =	sor.u32 s17, s16  }
0x44: {  	s13 =	sshll.u32 s31, $0x12;
	s14 =	sadd.s32 s30, s14;
	s16 =	sshrl.u32 s16, $0x3  }
0x45: {  	s13 =	sor.u32 $0x400, s13;
	s14 =	sadd.s32 s16, s14  }
0x46: {  	[hbm4b:s14+s13] =	stream.strided.scatter [tilespmem:s15], [sflag:$0x2], $0x1000, s9, s13, $0x20;
	[tilespmem:$0x4040] =	vst v63  }
.LBB1_8:
0x47: {  	_ =	sfence.sel $0x180000  }
0x48: {  	s2 =	simm.s32 $0x1;
	[bflag:$0x0] =	sbarrier.arrive $0xFFFF  }
0x49: {  	s31 =	simm.s32 $0x2;
	[sflag:s2] =	ssyncpa.u1 $0x1  }
0x4a: {  	[sflag:s31] =	ssyncpa.u1 $0x1  }
0x4b: {  	p0 =	sne.s32 s0, $0x0;
	_ =	strace $0x9000004A  }
0x4c: {  	s0 =	sadd.s32 @!p0 $0x100000, s1;
	[bflag:$0x2] =	sbarrier.arrive $0xFFFF  }
0x4d: {  	[sflag:s0] =	ssyncadd.tile.s32 @!p0 $0x1;
	_ =	shalt  }
.Lfunc_end1:
_tile_overlayer_lowered:
.L_overlay_start_2:
0x4e: {  	(tag) =	ssettag $0x2  }
0x4f: {  	s0 =	rddreg [dreg:$0x0];
	s2 =	stileid.u32  }
0x50: {  	s1 =	rddreg [dreg:$0x1];
	p0 =	sne.s32 s2, $0x0  }
0x51: {  	s3 =	rddreg [dreg:$0x2];
	[bflag:$0x3] =	sbarrier.arrive $0xFFFF;
	s2 =	simm.s32 @!p0 $0x1C01  }
0x52: {  	[timem:s3], [sflag:s2] =	dma.local @!p0 [hbm:s0], s1  }
0x53: {  	s0 =	simm.s32 @!p0 $0x1  }
0x54: {  	_ =	swait.ge @!p0 [sflag:s0], s1  }
0x55: {  	s1 =	ssub.s32 @!p0 $0x0, s1;
	[sflag:s0] =	ssyncset.done @!p0 $0x0  }
0x56: {  	[sflag:s0] =	ssyncadd.s32 @!p0 s1  }
0x57: {  	[bflag:$0x3] =	sbarrier.arrive $0xFFFF  }
0x58: {  	_ =	shalt  }

</sc_bundles>
